<compile_context>
chip_gen: v7x
topology: tpu7x:2x2x1
jax: 0.10.2.dev20260603
libtpu: 0.0.44.dev20260713+nightly
codegen_flags: <defaults>
</compile_context>

<pallas_src>
import functools

import jax
import jax.numpy as jnp
from jax import lax
from jax.experimental import pallas as pl
from jax.experimental.pallas import tpu as pltpu
from jax.experimental.pallas import tpu_sc as plsc

_H = 4096
_N = 4 * 4096
_NC, _NS = 2, 16
_NW = _NC * _NS
_C = 16
_NCH = 34
_SPW = _C * _NCH
_S = _NW * _SPW
_K = 4
_NCHP = 40


def _sc_scatter(srcs, dest_idx):
    mesh = plsc.VectorSubcoreMesh(core_axis_name="c", subcore_axis_name="s")

    @functools.partial(
        pl.kernel,
        mesh=mesh,
        out_type=jax.ShapeDtypeStruct((_N, _H), jnp.float32),
        scratch_types=[
            pltpu.VMEM((_C, _H), jnp.float32),
            pltpu.VMEM((_NCHP, _C), jnp.int32),
            pltpu.SemaphoreType.DMA,
            pltpu.SemaphoreType.DMA,
        ],
    )
    def k(src_hbm, dest_hbm, out_hbm, src_v, idx_v, lsem, wsem):
        wid = lax.axis_index("s") * _NC + lax.axis_index("c")
        pltpu.async_copy(src_hbm.at[pl.ds(wid * _C, _C)], src_v, lsem).wait()
        pltpu.async_copy(
            dest_hbm.at[pl.ds(wid * _NCHP, _NCHP)], idx_v, lsem
        ).wait()

        def scatter(c):
            pltpu.async_copy(
                src_v, out_hbm.at[idx_v.at[c, pl.ds(0, _C)]], wsem
            )

        def drain(c):
            pltpu.make_async_copy(
                src_v, out_hbm.at[idx_v.at[c, pl.ds(0, _C)]], wsem
            ).wait()

        @pl.loop(0, _NCH)
        def _(c):
            @pl.when(c >= _K)
            def _():
                drain(c)

            scatter(c)

        @pl.loop(0, _K)
        def _(c):
            drain(c)

    return k(srcs, dest_idx)


def kernel(token_type_ids, token_type_embeddings):
    flat = token_type_ids.reshape(_N)
    c0 = jnp.sum(flat == 0).astype(jnp.int32)
    c1 = (_N - c0).astype(jnp.int32)
    order = jnp.argsort(flat, stable=True).astype(jnp.int32)
    zr = _SPW * ((c0 + _SPW - 1) // _SPW)
    i = jnp.arange(_S, dtype=jnp.int32)
    ones_exist = c1 > 0
    in_ones = (i >= zr) & ones_exist
    rolled = jnp.roll(order, zr - c0)
    ordered_pad = jnp.concatenate([order, jnp.zeros((_S - _N,), jnp.int32)])
    rolled_pad = jnp.concatenate([rolled, rolled[: _S - _N]])
    pad0 = lax.dynamic_index_in_dim(order, jnp.maximum(c0 - 1, 0), keepdims=False)
    pad1 = order[_N - 1]
    dest = jnp.where(
        in_ones,
        jnp.where(i < zr + c1, rolled_pad, pad1),
        jnp.where(i < c0, ordered_pad, pad0),
    )
    dest_idx = jnp.pad(
        dest.reshape(_NW, _NCH, _C), ((0, 0), (0, _NCHP - _NCH), (0, 0))
    ).reshape(_NW * _NCHP, _C)
    b_w = ((jnp.arange(_NW, dtype=jnp.int32) * _SPW >= zr) & ones_exist)
    sel = b_w.astype(jnp.float32)[:, None]
    rows = (
        token_type_embeddings[0][None, :] * (1.0 - sel)
        + token_type_embeddings[1][None, :] * sel
    )
    srcs = jnp.broadcast_to(rows[:, None, :], (_NW, _C, _H)).reshape(
        _NW * _C, _H
    )
    out = _sc_scatter(srcs, dest_idx)
    return out.reshape(token_type_ids.shape + (_H,))

# --- scband reference (transcript-rebuilt; emitter-appended) ---
"""Pipeline reference for scband-tfalbert-token-type-embeddings-14199161880891 (READ-ONLY COPY).

The authoritative reference and input builder live on the scoring server;
editing this copy changes nothing except your own understanding.
"""

import jax, jax.numpy as jnp
import numpy as np

TYPE_VOCAB_SIZE = 2
HIDDEN_SIZE = 4096
INITIALIZER_RANGE = 0.02


def setup_inputs(seed: int = 0) -> dict:
    key = jax.random.key(seed)
    k1, k2 = jax.random.split(key)
    token_type_ids = jax.random.randint(k1, (4, 4096), 0, TYPE_VOCAB_SIZE, dtype=jnp.int32)
    token_type_embeddings = jax.random.normal(k2, (TYPE_VOCAB_SIZE, HIDDEN_SIZE), dtype=jnp.float32) * INITIALIZER_RANGE
    return {"token_type_ids": token_type_ids, "token_type_embeddings": token_type_embeddings}


def reference(token_type_ids, token_type_embeddings):
    # Faithful translation of TFAlbertTokenTypeEmbeddings.call:
    # flatten ids -> one-hot -> matmul with embedding table -> reshape back.
    flat_token_type_ids = jnp.reshape(token_type_ids, (-1,))
    one_hot_data = jax.nn.one_hot(flat_token_type_ids, TYPE_VOCAB_SIZE, dtype=token_type_embeddings.dtype)
    embeddings = jnp.matmul(one_hot_data, token_type_embeddings)
    out_shape = tuple(token_type_ids.shape) + (token_type_embeddings.shape[-1],)
    embeddings = jnp.reshape(embeddings, out_shape)
    return embeddings

if __name__ == "__main__":
    import jax
    _d = setup_inputs()
    print(jax.jit(kernel)(*tuple(_d.values())))

</pallas_src>

<mosaic_0001>
#map = affine_map<(d0, d1) -> (0, 0)>
module attributes {stable_mosaic.version = 14 : i64} {
  func.func @k(%arg0: i32, %arg1: i32, %arg2: memref<512x4096xf32, #tpu.memory_space<hbm>>, %arg3: memref<1280x16xi32, #tpu.memory_space<hbm>>, %arg4: memref<16384x4096xf32, #tpu.memory_space<hbm>>, %arg5: memref<16x4096xf32, #tpu.memory_space<vmem>>, %arg6: memref<40x16xi32, #tpu.memory_space<vmem>>, %arg7: memref<!tpu.dma_semaphore, #tpu.memory_space<semaphore_mem>>, %arg8: memref<!tpu.dma_semaphore, #tpu.memory_space<semaphore_mem>>) attributes {dimension_semantics = [#tpu.dimension_semantics<core_parallel>, #tpu.dimension_semantics<subcore_parallel>], iteration_bounds = array<i64: 2, 16>, scalar_prefetch = 0 : i64, scratch_operands = 4 : i64, tpu.core_type = #tpu.core_type<sc_vector_subcore>, window_params = [{transform_indices = #map}, {transform_indices = #map}, {transform_indices = #map}]} {
    %mul3A = arith.constant 2 : i32
    %mul3A_0 = arith.muli %arg1, %mul3A : i32
    %add3A = arith.addi %mul3A_0, %arg0 : i32
    %mul3A_1 = arith.constant 16 : i32
    %mul3A_2 = arith.muli %add3A, %mul3A_1 : i32
    %dma_start3A = arith.constant 0 : i32
    %dma_start3A_3 = tpu.memref_slice %arg2[%mul3A_2, %dma_start3A] : memref<512x4096xf32, #tpu.memory_space<hbm>> -> memref<16x4096xf32, #tpu.memory_space<hbm>>
    %dma_start3A_4 = arith.constant 0 : i32
    %dma_start3A_5 = tpu.memref_slice %arg2[%mul3A_2, %dma_start3A_4] : memref<512x4096xf32, #tpu.memory_space<hbm>> -> memref<16x4096xf32, #tpu.memory_space<hbm>>
    tpu.enqueue_dma source(%dma_start3A_5 : memref<16x4096xf32, #tpu.memory_space<hbm>>) target(%arg5 : memref<16x4096xf32, #tpu.memory_space<vmem>>) target_semaphore(%arg7 : memref<!tpu.dma_semaphore, #tpu.memory_space<semaphore_mem>>)
    %dma_wait3A = arith.constant 0 : i32
    %dma_wait3A_6 = tpu.memref_slice %arg2[%mul3A_2, %dma_wait3A] : memref<512x4096xf32, #tpu.memory_space<hbm>> -> memref<16x4096xf32, #tpu.memory_space<hbm>>
    %dma_wait3A_7 = arith.constant 0 : i32
    %dma_wait3A_8 = tpu.memref_slice %arg2[%mul3A_2, %dma_wait3A_7] : memref<512x4096xf32, #tpu.memory_space<hbm>> -> memref<16x4096xf32, #tpu.memory_space<hbm>>
    tpu.wait_dma2 semaphore(%arg7 : memref<!tpu.dma_semaphore, #tpu.memory_space<semaphore_mem>>) src(%dma_wait3A_8 : memref<16x4096xf32, #tpu.memory_space<hbm>>) dst(%arg5 : memref<16x4096xf32, #tpu.memory_space<vmem>>)
    %mul3A_9 = arith.constant 40 : i32
    %mul3A_10 = arith.muli %add3A, %mul3A_9 : i32
    %dma_start3A_11 = arith.constant 0 : i32
    %dma_start3A_12 = tpu.memref_slice %arg3[%mul3A_10, %dma_start3A_11] : memref<1280x16xi32, #tpu.memory_space<hbm>> -> memref<40x16xi32, #tpu.memory_space<hbm>>
    %dma_start3A_13 = arith.constant 0 : i32
    %dma_start3A_14 = tpu.memref_slice %arg3[%mul3A_10, %dma_start3A_13] : memref<1280x16xi32, #tpu.memory_space<hbm>> -> memref<40x16xi32, #tpu.memory_space<hbm>>
    tpu.enqueue_dma source(%dma_start3A_14 : memref<40x16xi32, #tpu.memory_space<hbm>>) target(%arg6 : memref<40x16xi32, #tpu.memory_space<vmem>>) target_semaphore(%arg7 : memref<!tpu.dma_semaphore, #tpu.memory_space<semaphore_mem>>)
    %dma_wait3A_15 = arith.constant 0 : i32
    %dma_wait3A_16 = tpu.memref_slice %arg3[%mul3A_10, %dma_wait3A_15] : memref<1280x16xi32, #tpu.memory_space<hbm>> -> memref<40x16xi32, #tpu.memory_space<hbm>>
    %dma_wait3A_17 = arith.constant 0 : i32
    %dma_wait3A_18 = tpu.memref_slice %arg3[%mul3A_10, %dma_wait3A_17] : memref<1280x16xi32, #tpu.memory_space<hbm>> -> memref<40x16xi32, #tpu.memory_space<hbm>>
    tpu.wait_dma2 semaphore(%arg7 : memref<!tpu.dma_semaphore, #tpu.memory_space<semaphore_mem>>) src(%dma_wait3A_18 : memref<40x16xi32, #tpu.memory_space<hbm>>) dst(%arg6 : memref<40x16xi32, #tpu.memory_space<vmem>>)
    %scan3A = arith.constant 0 : i32
    %scan3A_19 = arith.constant 34 : i32
    %scan3A_20 = arith.addi %scan3A, %scan3A_19 : i32
    %scan3A_21 = arith.constant 1 : i32
    scf.for %scan3A_28 = %scan3A to %scan3A_20 step %scan3A_21  : i32 {
      %mul3A_29 = arith.constant 1 : i32
      %mul3A_30 = arith.muli %scan3A_28, %mul3A_29 : i32
      %add3A_31 = arith.constant 0 : i32
      %add3A_32 = arith.addi %add3A_31, %mul3A_30 : i32
      %ge3A = arith.constant 4 : i32
      %ge3A_33 = arith.cmpi sge, %add3A_32, %ge3A : i32
      %convert_element_type3A = arith.extui %ge3A_33 : i1 to i32
      %cond3A = arith.constant 0 : i32
      %cond3A_34 = arith.cmpi ne, %convert_element_type3A, %cond3A : i32
      scf.if %cond3A_34 {
        %dma_wait3A_41 = arith.constant 0 : i32
        %dma_wait3A_42 = tpu.memref_slice %arg6[%add3A_32, %dma_wait3A_41] : memref<40x16xi32, #tpu.memory_space<vmem>> -> memref<1x16xi32, #tpu.memory_space<vmem>>
        %dma_wait3A_43 = tpu.memref_squeeze %dma_wait3A_42 : memref<1x16xi32, #tpu.memory_space<vmem>> -> memref<16xi32, #tpu.memory_space<vmem>>
        %dma_wait3A_44 = arith.constant 0 : i32
        %dma_wait3A_45 = arith.constant 0 : i32
        %dma_wait3A_46 = tpu.memref_slice %arg4[%dma_wait3A_44, %dma_wait3A_45] : memref<16384x4096xf32, #tpu.memory_space<hbm>> -> memref<16384x4096xf32, #tpu.memory_space<hbm>>
        tpu.wait_indirect_dma semaphore(%arg8 : memref<!tpu.dma_semaphore, #tpu.memory_space<semaphore_mem>>) src(%arg5 : memref<16x4096xf32, #tpu.memory_space<vmem>>) dst(%dma_wait3A_46 : memref<16384x4096xf32, #tpu.memory_space<hbm>>)
      } else {
      }
      %dma_start3A_35 = arith.constant 0 : i32
      %dma_start3A_36 = tpu.memref_slice %arg6[%add3A_32, %dma_start3A_35] : memref<40x16xi32, #tpu.memory_space<vmem>> -> memref<1x16xi32, #tpu.memory_space<vmem>>
      %dma_start3A_37 = tpu.memref_squeeze %dma_start3A_36 : memref<1x16xi32, #tpu.memory_space<vmem>> -> memref<16xi32, #tpu.memory_space<vmem>>
      %dma_start3A_38 = arith.constant 0 : i32
      %dma_start3A_39 = arith.constant 0 : i32
      %dma_start3A_40 = tpu.memref_slice %arg4[%dma_start3A_38, %dma_start3A_39] : memref<16384x4096xf32, #tpu.memory_space<hbm>> -> memref<16384x4096xf32, #tpu.memory_space<hbm>>
      tpu.enqueue_indirect_dma source(%arg5 : memref<16x4096xf32, #tpu.memory_space<vmem>>) target(%dma_start3A_40 : memref<16384x4096xf32, #tpu.memory_space<hbm>>) offsets(%dma_start3A_37 : memref<16xi32, #tpu.memory_space<vmem>>) semaphore(%arg8 : memref<!tpu.dma_semaphore, #tpu.memory_space<semaphore_mem>>)
    }
    %scan3A_22 = arith.constant 34 : i32
    %scan3A_23 = arith.constant 0 : i32
    %scan3A_24 = arith.constant 4 : i32
    %scan3A_25 = arith.addi %scan3A_23, %scan3A_24 : i32
    %scan3A_26 = arith.constant 1 : i32
    scf.for %scan3A_28 = %scan3A_23 to %scan3A_25 step %scan3A_26  : i32 {
      %mul3A_29 = arith.constant 1 : i32
      %mul3A_30 = arith.muli %scan3A_28, %mul3A_29 : i32
      %add3A_31 = arith.constant 0 : i32
      %add3A_32 = arith.addi %add3A_31, %mul3A_30 : i32
      %dma_wait3A_33 = arith.constant 0 : i32
      %dma_wait3A_34 = tpu.memref_slice %arg6[%add3A_32, %dma_wait3A_33] : memref<40x16xi32, #tpu.memory_space<vmem>> -> memref<1x16xi32, #tpu.memory_space<vmem>>
      %dma_wait3A_35 = tpu.memref_squeeze %dma_wait3A_34 : memref<1x16xi32, #tpu.memory_space<vmem>> -> memref<16xi32, #tpu.memory_space<vmem>>
      %dma_wait3A_36 = arith.constant 0 : i32
      %dma_wait3A_37 = arith.constant 0 : i32
      %dma_wait3A_38 = tpu.memref_slice %arg4[%dma_wait3A_36, %dma_wait3A_37] : memref<16384x4096xf32, #tpu.memory_space<hbm>> -> memref<16384x4096xf32, #tpu.memory_space<hbm>>
      tpu.wait_indirect_dma semaphore(%arg8 : memref<!tpu.dma_semaphore, #tpu.memory_space<semaphore_mem>>) src(%arg5 : memref<16x4096xf32, #tpu.memory_space<vmem>>) dst(%dma_wait3A_38 : memref<16384x4096xf32, #tpu.memory_space<hbm>>)
    }
    %scan3A_27 = arith.constant 4 : i32
    return
  }
}

</mosaic_0001>

<sc_bundles>
// kernel: kernel.3.cloned.1.call-start
scs
__scs_entry_jumppad:
0x0: {  	(pc) =	sbr.rel $0x88, $3  }
0x1: {  	(tag) =	ssettag $0x0;
	lr =	simm.s32 $0x1  }
0x2: {  	[smem:$0x3F9F] =	sst lr;
	_ =	strace $0xD0000000  }
0x3: {  	_ = 	snop  }
0x4: {  	_ = 	snop  }
0x5: {  	_ = 	snop  }
0x6: {  	_ = 	snop  }
0x7: {  	_ = 	snop  }
__scs_overlays_trampoline_lowered:
0x8: {  	[smem:$0x3FAE] =	sst s0  }
0x9: {  	[smem:$0x3FAF] =	sst s1  }
0xa: {  	[smem:$0x3FB0] =	sst s2  }
0xb: {  	[smem:$0x3FB1] =	sst s3  }
0xc: {  	[smem:$0x3FB2] =	sst s4  }
0xd: {  	[smem:$0x3FB3] =	sst s5  }
0xe: {  	[smem:$0x3FB4] =	sst s6  }
0xf: {  	[smem:$0x3FB5] =	sst s7  }
0x10: {  	[smem:$0x3FB6] =	sst s8  }
0x11: {  	[smem:$0x3FB7] =	sst s9;
	s0 =	simm.s32 @!p0 $0x0  }
0x12: {  	s1 =	sld [smem:$0x3F9D];
	s0 =	simm.s32 @p0 $0x1  }
0x13: {  	[smem:$0x3FB8] =	sst s0;
	s0 =	simm.s32 @!p1 $0x0  }
0x14: {  	s2 =	sld [smem:$0x3F9C];
	s0 =	simm.s32 @p1 $0x1  }
0x15: {  	[smem:$0x3FB9] =	sst s0;
	s0 =	simm.s32 @!p2 $0x0  }
0x16: {  	s3 =	sld [smem:$0x3FDB];
	s0 =	simm.s32 @p2 $0x1  }
0x17: {  	s4 =	simm.s32 $0x1BF5;
	[smem:$0x3FBB] =	sst s0  }
0x18: {  	s0 =	sld [smem:$0x3F9E];
	_ =	swait.ge [sflag:s4], $0x0  }
0x19: {  	s7 =	sld [smem:$0x3F9F]  }
0x1a: {  	s8 =	sadd.s32 $0xFFFFE003, lr  }
0x1b: {  	s9 =	sadd.s32 $0xFFFFFEF7, lr;
	s5 =	simm.s32 $0xFFFFFFFF;
	p2 =	slt.u32 s8, $0xFFFFF086  }
0x1c: {  	p1 =	slt.u32 s9, $0xF7A;
	s5 =	simm.s32 @!p2 $0x0  }
0x1d: {  	s5 =	simm.s32 @p1 $0x1;
	p0 =	seq.s32 s7, s2  }
0x1e: {  	s7 =	smul.u32 @!p0 $0xF7A, s2;
	p2 =	seq.s32 @!p0 s5, $0x0  }
0x1f: {  	s9 =	smul.u32 $0xF7A, s1;
	s8 =	simm.s32 @!p0 $0x1BF5;
	p2 =	por !p2, p0  }
0x20: {  	[sflag:s8] =	ssyncset.s32 @!p0 $0xFFFFF086;
	s6 =	sadd.s32 @!p0 s3, s7;
	s7 =	simm.s32 @!p0 $0x108  }
0x21: {  	s3 =	sadd.s32 s3, s9;
	s6 =	sadd.s32 @!p0 $0x88, s6;
	s7 =	simm.s32 @p2 $0x1082  }
0x22: {  	[simem:s7], [sflag:s8] =	dma.local @!p0 [hbm:s6], $0xF7A  }
0x23: {  	s9 =	sor.u32 $0xD0000000, s2;
	s6 =	simm.s32 $0x108;
	_ =	swait.ge @!p0 [sflag:s8], $0x0  }
0x24: {  	s3 =	sadd.s32 $0x88, s3;
	s6 =	simm.s32 @!p1 $0x1082;
	[sflag:s4] =	ssyncset.s32 $0xFFFFF086  }
0x25: {  	[simem:s6], [sflag:s4] =	dma.local [hbm:s3], $0xF7A  }
0x26: {  	[smem:$0x3F9F] =	sst s1;
	(tag) =	ssettag s2;
	_ =	strace s9  }
0x27: {  	s1 =	sld [smem:$0x3FAF]  }
0x28: {  	s2 =	sld [smem:$0x3FB0]  }
0x29: {  	s4 =	sld [smem:$0x3FB2]  }
0x2a: {  	p0 =	seq.s32 s5, $0x0;
	s5 =	sld [smem:$0x3FB3]  }
0x2b: {  	s6 =	sld [smem:$0x3FB4]  }
0x2c: {  	s7 =	sld [smem:$0x3FB5]  }
0x2d: {  	s3 =	simm.s32 $0x108;
	s8 =	sld [smem:$0x3FB6]  }
0x2e: {  	s3 =	simm.s32 @!p0 $0x1082;
	s9 =	sld [smem:$0x3FB7]  }
0x2f: {  	lr =	sadd.s32 s0, s3;
	s0 =	sld [smem:$0x3FAE]  }
0x30: {  	s3 =	sld [smem:$0x3FB1]  }
0x31: {  	[smem:$0x3FBA] =	sst s10  }
0x32: {  	s10 =	sld [smem:$0x3FB8];
	_ =	sdelay $0x3  }
0x33: {  	p0 =	seq.s32 s10, $0x1;
	s10 =	sld [smem:$0x3FBA];
	_ =	sdelay $0x3  }
0x34: {  	[smem:$0x3FBA] =	sst s10  }
0x35: {  	s10 =	sld [smem:$0x3FB9];
	_ =	sdelay $0x3  }
0x36: {  	p1 =	seq.s32 s10, $0x1;
	s10 =	sld [smem:$0x3FBA];
	_ =	sdelay $0x3  }
0x37: {  	[smem:$0x3FBA] =	sst s10  }
0x38: {  	s10 =	sld [smem:$0x3FBB]  }
0x39: {  	_ = 	snop;
	(pc) =	sbr.ind lr, $3  }
0x3a: {  	_ = 	snop  }
0x3b: {  	_ = 	snop  }
0x3c: {  	p2 =	seq.s32 s10, $0x1;
	s10 =	sld [smem:$0x3FBA]  }
0x3d: {  	_ =	shalt  }
0x3e: {  	_ =	shalt  }
0x3f: {  	_ =	shalt  }
0x40: {  	_ =	shalt  }
0x41: {  	_ =	shalt  }
0x42: {  	_ =	shalt  }
0x43: {  	_ =	shalt  }
0x44: {  	_ =	shalt  }
0x45: {  	_ =	shalt  }
0x46: {  	_ =	shalt  }
0x47: {  	_ =	shalt  }
0x48: {  	_ =	shalt  }
0x49: {  	_ =	shalt  }
0x4a: {  	_ =	shalt  }
0x4b: {  	_ =	shalt  }
0x4c: {  	_ =	shalt  }
0x4d: {  	_ =	shalt  }
0x4e: {  	_ =	shalt  }
0x4f: {  	_ =	shalt  }
0x50: {  	_ =	shalt  }
0x51: {  	_ =	shalt  }
0x52: {  	_ =	shalt  }
0x53: {  	_ =	shalt  }
0x54: {  	_ =	shalt  }
0x55: {  	_ =	shalt  }
0x56: {  	_ =	shalt  }
0x57: {  	_ =	shalt  }
0x58: {  	_ =	shalt  }
0x59: {  	_ =	shalt  }
0x5a: {  	_ =	shalt  }
0x5b: {  	_ =	shalt  }
0x5c: {  	_ =	shalt  }
0x5d: {  	_ =	shalt  }
0x5e: {  	_ =	shalt  }
0x5f: {  	_ =	shalt  }
0x60: {  	_ =	shalt  }
0x61: {  	_ =	shalt  }
0x62: {  	_ =	shalt  }
0x63: {  	_ =	shalt  }
0x64: {  	_ =	shalt  }
0x65: {  	_ =	shalt  }
0x66: {  	_ =	shalt  }
0x67: {  	_ =	shalt  }
0x68: {  	_ =	shalt  }
0x69: {  	_ =	shalt  }
0x6a: {  	_ =	shalt  }
0x6b: {  	_ =	shalt  }
0x6c: {  	_ =	shalt  }
0x6d: {  	_ =	shalt  }
0x6e: {  	_ =	shalt  }
0x6f: {  	_ =	shalt  }
0x70: {  	_ =	shalt  }
0x71: {  	_ =	shalt  }
0x72: {  	_ =	shalt  }
0x73: {  	_ =	shalt  }
0x74: {  	_ =	shalt  }
0x75: {  	_ =	shalt  }
0x76: {  	_ =	shalt  }
0x77: {  	_ =	shalt  }
0x78: {  	_ =	shalt  }
0x79: {  	_ =	shalt  }
0x7a: {  	_ =	shalt  }
0x7b: {  	_ =	shalt  }
0x7c: {  	_ =	shalt  }
0x7d: {  	_ =	shalt  }
0x7e: {  	_ =	shalt  }
0x7f: {  	_ =	shalt  }
0x80: {  	_ =	shalt  }
0x81: {  	_ =	shalt  }
0x82: {  	_ =	shalt  }
0x83: {  	_ =	shalt  }
0x84: {  	_ =	shalt  }
0x85: {  	_ =	shalt  }
0x86: {  	_ =	shalt  }
0x87: {  	_ =	shalt  }
.Lfunc_end0:
.L_simem_size_0:
called_computation_lowered:
.L_overlay_start_0:
0x88: {  	s2 =	sld [smem:$0x3FD9]  }
0x89: {  	s3 =	sld [smem:$0x3FFE];
	_ =	sdelay $0x1  }
0x8a: {  	s1 =	srdreg.scid  }
0x8b: {  	s0 =	sand.u32 $0x1, s1  }
0x8c: {  	s17 =	sshll.u32 s0, $0xA;
	s2 =	sadd.s32 s3, s2  }
0x8d: {  	s2 =	sadd.s32 s2, s17  }
0x8e: {  	[smem:$0x3FC6] =	sst s2  }
0x8f: {  	_ = 	snop  }
0x90: {  	s2 =	sld [smem:$0x3FD0];
	(tm) =	ssettm $0x1  }
0x91: {  	s18 =	sld [smem:$0x3FFB];
	_ =	sdelay $0x3  }
0x92: {  	_ =	strace s18  }
0x93: {  	s3 =	sld [smem:$0x3FFC];
	_ =	sdelay $0x3  }
0x94: {  	_ =	strace s3  }
0x95: {  	s3 =	sld [smem:$0x3FFD];
	_ =	sdelay $0x3  }
0x96: {  	_ =	strace s3  }
0x97: {  	_ =	strace $0x8FFFFFFF  }
0x98: {  	s19 =	sld [smem:$0x3FDB];
	_ =	sdelay $0x1  }
0x99: {  	s4 =	simm.s32 $_scs_section_size  }
0x9a: {  	s5 =	simm.s32 $_size__tile_overlayer_lowered;
	s6 =	simm.s32 $_tile_overlayer_lowered  }
0x9b: {  	s22 =	simm.s32 $0x1BFF;
	s21 =	sshll.u32 s6, $0x1;
	s3 =	sadd.s32 s4, s19  }
0x9c: {  	s7 =	simm.s32 $0x0;
	s20 =	sshll.u32 s5, $0x1;
	s5 =	sadd.s32 s21, s3  }
0x9d: {  	[timem:s7], [sflag:s22] =	dma.local [hbm:s5], s20  }
0x9e: {  	_ =	swait.ge [sflag:s22], s20  }
0x9f: {  	s4 =	ssub.s32 $0x0, s20;
	[sflag:s22] =	ssyncset.done $0x0  }
0xa0: {  	[sflag:s22] =	ssyncadd.s32 s4;
	_ =	sdelay $0x1  }
0xa1: {  	s23 =	simm.s32 $0x1B8B  }
0xa2: {  	_ =	swait.ge [sflag:s23], $0x1  }
0xa3: {  	[sflag:s23] =	ssyncset.done $0x0  }
0xa4: {  	s25 =	simm.s32 $0x1B8E;
	s24 =	sld [smem:$0x3FFE];
	[sflag:s23] =	ssyncadd.s32 $0xFFFFFFFF  }
0xa5: {  	s26 =	simm.s32 $execute0_lowered;
	[smem:$0x3FD2] =	sst s25  }
0xa6: {  	s5 =	sshll.u32 s26, $0x1;
	_ =	strace $0x80000046;
	[dreg:$0x1] =	wrdreg $0xFFFFFFFF  }
0xa7: {  	s28 =	simm.s32 $_size_execute0_lowered;
	s3 =	sadd.s32 s3, s5;
	[dreg:$0x0] =	wrdreg $0x0  }
0xa8: {  	s5 =	sshll.u32 s28, $0x1;
	[dreg:$0x2] =	wrdreg s3  }
0xa9: {  	[dreg:$0x3] =	wrdreg s5  }
0xaa: {  	[dreg:$0x4] =	wrdreg $0xC0  }
0xab: {  	_ =	task [dreg:s7], $0x5FFFF  }
0xac: {  	[dreg:$0x1] =	wrdreg $0xFFFFFFFF  }
0xad: {  	[dreg:$0x0] =	wrdreg $0x60  }
0xae: {  	[dreg:$0x2] =	wrdreg s24  }
0xaf: {  	[dreg:$0x3] =	wrdreg s2  }
0xb0: {  	[dreg:$0x4] =	wrdreg $0x9  }
0xb1: {  	_ =	task.clear_ibuf [dreg:s7], $0x5FFFF;
	_ =	strace $0x90000046  }
0xb2: {  	s29 =	simm.s32 $0x9;
	_ =	strace $0x80000048  }
0xb3: {  	_ =	swait.ge [sflag:s29], $0x1  }
0xb4: {  	[sflag:s29] =	ssyncadd.s32 $0xFFFFFFFF  }
0xb5: {  	_ =	strace $0x90000048  }
0xb6: {  	_ =	sfence  }
0xb7: {  	s30 =	sld [smem:$0x0];
	_ =	sdelay $0x2  }
0xb8: {  	s31 =	sshll.u32 s1, $0xD;
	s1 =	sshrl.u32 s1, $0x2  }
0xb9: {  	s3 =	sand.u32 $0x4000, s31;
	s1 =	sadd.s32 s1, s30  }
0xba: {  	s0 =	sor.u32 s3, s0;
	s1 =	sshll.u32 s1, $0x11  }
0xbb: {  	s0 =	sor.u32 s1, s0  }
0xbc: {  	s0 =	sadd.s32 $0x8F2B, s0  }
0xbd: {  	[sflag:s0] =	ssyncadd.remote.s32 $0x1  }
0xbe: {  	_ =	sfence.sel $0xFFFF  }
0xbf: {  	[dreg:$0x0] =	wrdreg $0xFFFFFFFF;
	(pc) =	sbr.abs _section_cstart, $3  }
0xc0: {  	[dreg:$0x1] =	wrdreg $0xFFFFFFFF  }
0xc1: {  	_ =	task.clear_ibuf [dreg:s7], $0x2FFFF;
	_ =	strace $0x9FFFFFFF  }
0xc2: {  	(tm) =	ssettm $0x7FFFFFFF  }
0xc3: {  	_ =	shalt  }
tec
execute0_lowered:
.L_overlay_start_1:
0x0: {  	(tag) =	ssettag $0x1  }
0x1: {  	s0 =	rddreg [dreg:$0x0]  }
0x2: {  	s2 =	rddreg [dreg:$0x1]  }
0x3: {  	s1 =	srdreg.scid;
	s4 =	stileid.u32  }
0x4: {  	s3 =	simm.s32 $0x0;
	s7 =	simm.s32 $0x800;
	s26 =	simm.s32 $0x1000  }
0x5: {  	s8 =	simm.s32 $0x2000;
	s9 =	simm.s32 $0x2800;
	[smem:$0x7FF] =	sst s3  }
0x6: {  	s10 =	simm.s32 $0x3000;
	_ =	strace $0x80000047;
	[dreg:$0x3] =	wrdreg s7  }
0x7: {  	s11 =	simm.s32 $0x3800;
	s12 =	simm.s32 $0x4000;
	[dreg:$0x4] =	wrdreg s26  }
0x8: {  	s13 =	simm.s32 $0x4800;
	s14 =	simm.s32 $0x5000;
	[dreg:$0x6] =	wrdreg s8  }
0x9: {  	s15 =	simm.s32 $0x5800;
	s16 =	simm.s32 $0x6000;
	[dreg:$0x7] =	wrdreg s9  }
0xa: {  	s17 =	simm.s32 $0x6800;
	s18 =	simm.s32 $0x7000;
	[dreg:$0x8] =	wrdreg s10  }
0xb: {  	s19 =	simm.s32 $0x7800;
	s20 =	simm.s32 $0x8000;
	[dreg:$0x9] =	wrdreg s11  }
0xc: {  	s21 =	simm.s32 $0x8800;
	s22 =	simm.s32 $0x9000;
	[dreg:$0xa] =	wrdreg s12  }
0xd: {  	s23 =	simm.s32 $0x9800;
	s24 =	simm.s32 $0xA000;
	[dreg:$0xb] =	wrdreg s13  }
0xe: {  	s25 =	simm.s32 $0xA800;
	s28 =	simm.s32 $0xD800;
	[dreg:$0xc] =	wrdreg s14  }
0xf: {  	s29 =	simm.s32 $0xE000;
	s30 =	simm.s32 $0xE800;
	[dreg:$0xd] =	wrdreg s15  }
0x10: {  	s1 =	sand.u32 $0x1, s1;
	s4 =	sshll.u32 s4, $0x1;
	[dreg:$0xe] =	wrdreg s16  }
0x11: {  	s31 =	simm.s32 $0xF000;
	s4 =	sor.u32 s1, s4;
	[dreg:$0xf] =	wrdreg s17  }
0x12: {  	s1 =	ssub.s32 $0x2, s1;
	s7 =	simm.s32 $0x1800;
	[dreg:$0x10] =	wrdreg s18  }
0x13: {  	s8 =	sadd.s32 $0x300, s2;
	s9 =	sadd.s32 $0x400, s2;
	[dreg:$0x11] =	wrdreg s19  }
0x14: {  	s10 =	sadd.s32 $0x500, s2;
	s11 =	sadd.s32 $0x600, s2;
	[dreg:$0x12] =	wrdreg s20  }
0x15: {  	s12 =	sadd.s32 $0x700, s2;
	s13 =	sadd.s32 $0x800, s2;
	[dreg:$0x13] =	wrdreg s21  }
0x16: {  	s14 =	sadd.s32 $0x900, s2;
	s15 =	sadd.s32 $0xA00, s2;
	[dreg:$0x14] =	wrdreg s22  }
0x17: {  	s16 =	sadd.s32 $0xB00, s2;
	s17 =	sadd.s32 $0xC00, s2;
	[dreg:$0x15] =	wrdreg s23  }
0x18: {  	s18 =	sadd.s32 $0xD00, s2;
	s19 =	sadd.s32 $0xE00, s2;
	[dreg:$0x16] =	wrdreg s24  }
0x19: {  	s20 =	sadd.s32 $0xF00, s2;
	[dreg:$0x17] =	wrdreg s25;
	s26 =	simm.s32 $0xB000  }
0x1a: {  	s23 =	simm.s32 $0xB800;
	s24 =	simm.s32 $0xC000;
	s25 =	simm.s32 $0xC800  }
0x1b: {  	s5 =	sshll.u32 s4, $0xD;
	s6 =	sshrl.u32 s1, $0x1;
	s4 =	smul.u32 $0x280, s4  }
0x1c: {  	[dreg:$0x5] =	wrdreg s7;
	s7 =	sadd.s32 $0x200, s2;
	s5 =	sadd.s32 s5, s0  }
0x1d: {  	[dreg:$0x18] =	wrdreg s26;
	s26 =	simm.s32 $0xD000;
	s5 =	sadd.s32 $0x5000, s5  }
0x1e: {  	v2 =	vlaneseq.u32;
	s1 =	ssub.s32 s1, s6;
	s0 =	sadd.s32 s0, s4;
	[dreg:$0x19] =	wrdreg s5  }
0x1f: {  	vm0 =	vmmov $0xffff;
	v1 =	vshrl.u32 v2, $0x3;
	s6 =	sadd.s32 $0x100, s2;
	s1 =	smax.u32 s1, $0x1;
	[dreg:$0x1a] =	wrdreg s0  }
0x20: {  	v0 =	vand.u32 $0x7, v2;
	v2 =	vor.u32 $0x8, v2;
	v1 =	vmul.u32 $0x8, v1;
	s4 =	simm.s32 $0x0;
	[dreg:$0x1b] =	wrdreg s1;
	s0 =	simm.s32 $0xF800  }
.LBB2_1:
0x21: {  	s1 =	rddreg [dreg:$0x19];
	s21 =	simm.s32 $0x1  }
0x22: {  	[tilespmem:s3], [sflag:$0x1] =	stream.linear.gather [hbm4b:s1+s3], $0x10000, $0x38;
	[tilespmem:$0x11400] =	vst v63  }
0x23: {  	_ =	swait.ge [sflag:s21], $0x10000  }
0x24: {  	[sflag:s21] =	ssyncset.done $0x0  }
0x25: {  	s5 =	simm.s32 $0x10000;
	s22 =	rddreg [dreg:$0x1a];
	[sflag:s21] =	ssyncadd.s32 $0xFFFF0000  }
0x26: {  	[tilespmem:s5], [sflag:$0x1] =	stream.linear.gather [hbm4b:s22+s3], $0x1400, $0x38;
	[tilespmem:$0x11400] =	vst v63  }
0x27: {  	p0 =	por $0x1, $0x1;
	_ =	swait.ge [sflag:s21], $0x1400  }
0x28: {  	p0 =	por p0, p0;
	[sflag:s21] =	ssyncset.done $0x0  }
0x29: {  	[sflag:s21] =	ssyncadd.s32 $0xFFFFEC00;
	s21 =	simm.s32 @!p0 $0x2  }
0x2a: {  	_ =	swait.ge @!p0 [sflag:s21], $0x10000  }
0x2b: {  	[sflag:s21] =	ssyncset.done @!p0 $0x0  }
0x2c: {  	[sflag:s21] =	ssyncadd.s32 @!p0 $0xFFFF0000  }
0x2d: {  	v3 =	vld [tilespmem:s5+$0x0];
	_ =	sdelay $0x4  }
0x2e: {  	v4 =	vshll.u32 v3, $0x5  }
0x2f: {  	v3 =	vand.u32 $0x7, v3;
	v4 =	vand.u32 $0xFFFFFF00, v4  }
0x30: {  	v3 =	vor.u32 v3, v4  }
0x31: {  	v4 =	vperm.xlane v3, v0;
	_ =	sdelay $0x1  }
0x32: {  	v4 =	vadd.s32 v1, v4;
	_ =	sdelay $0x4  }
0x33: {  	[hbm4b:s2+s3] =	stream.indirect_vreg.scatter [tilespmem:s3], [sflag:$0x2], $0x80, v4, vm0, $0xb8;
	[tilespmem:$0x11400] =	vst v63  }
0x34: {  	s21 =	rddreg [dreg:$0x3]  }
0x35: {  	[hbm4b:s6+s3] =	stream.indirect_vreg.scatter [tilespmem:s21], [sflag:$0x2], $0x80, v4, vm0, $0xb8;
	[tilespmem:$0x11400] =	vst v63  }
0x36: {  	s22 =	rddreg [dreg:$0x4]  }
0x37: {  	[hbm4b:s7+s3] =	stream.indirect_vreg.scatter [tilespmem:s22], [sflag:$0x2], $0x80, v4, vm0, $0xb8;
	[tilespmem:$0x11400] =	vst v63  }
0x38: {  	s1 =	rddreg [dreg:$0x5]  }
0x39: {  	[hbm4b:s8+s3] =	stream.indirect_vreg.scatter [tilespmem:s1], [sflag:$0x2], $0x80, v4, vm0, $0xb8;
	[tilespmem:$0x11400] =	vst v63  }
0x3a: {  	s22 =	rddreg [dreg:$0x6]  }
0x3b: {  	[hbm4b:s9+s3] =	stream.indirect_vreg.scatter [tilespmem:s22], [sflag:$0x2], $0x80, v4, vm0, $0xb8;
	[tilespmem:$0x11400] =	vst v63  }
0x3c: {  	s1 =	rddreg [dreg:$0x7]  }
0x3d: {  	[hbm4b:s10+s3] =	stream.indirect_vreg.scatter [tilespmem:s1], [sflag:$0x2], $0x80, v4, vm0, $0xb8;
	[tilespmem:$0x11400] =	vst v63  }
0x3e: {  	s22 =	rddreg [dreg:$0x8]  }
0x3f: {  	[hbm4b:s11+s3] =	stream.indirect_vreg.scatter [tilespmem:s22], [sflag:$0x2], $0x80, v4, vm0, $0xb8;
	[tilespmem:$0x11400] =	vst v63  }
0x40: {  	s1 =	rddreg [dreg:$0x9]  }
0x41: {  	[hbm4b:s12+s3] =	stream.indirect_vreg.scatter [tilespmem:s1], [sflag:$0x2], $0x80, v4, vm0, $0xb8;
	[tilespmem:$0x11400] =	vst v63  }
0x42: {  	s22 =	rddreg [dreg:$0xa]  }
0x43: {  	[hbm4b:s13+s3] =	stream.indirect_vreg.scatter [tilespmem:s22], [sflag:$0x2], $0x80, v4, vm0, $0xb8;
	[tilespmem:$0x11400] =	vst v63  }
0x44: {  	s1 =	rddreg [dreg:$0xb]  }
0x45: {  	[hbm4b:s14+s3] =	stream.indirect_vreg.scatter [tilespmem:s1], [sflag:$0x2], $0x80, v4, vm0, $0xb8;
	[tilespmem:$0x11400] =	vst v63  }
0x46: {  	s22 =	rddreg [dreg:$0xc]  }
0x47: {  	[hbm4b:s15+s3] =	stream.indirect_vreg.scatter [tilespmem:s22], [sflag:$0x2], $0x80, v4, vm0, $0xb8;
	[tilespmem:$0x11400] =	vst v63  }
0x48: {  	s1 =	rddreg [dreg:$0xd]  }
0x49: {  	[hbm4b:s16+s3] =	stream.indirect_vreg.scatter [tilespmem:s1], [sflag:$0x2], $0x80, v4, vm0, $0xb8;
	[tilespmem:$0x11400] =	vst v63  }
0x4a: {  	s22 =	rddreg [dreg:$0xe]  }
0x4b: {  	[hbm4b:s17+s3] =	stream.indirect_vreg.scatter [tilespmem:s22], [sflag:$0x2], $0x80, v4, vm0, $0xb8;
	[tilespmem:$0x11400] =	vst v63  }
0x4c: {  	v3 =	vperm.xlane v3, v2;
	s1 =	rddreg [dreg:$0xf]  }
0x4d: {  	[hbm4b:s18+s3] =	stream.indirect_vreg.scatter [tilespmem:s1], [sflag:$0x2], $0x80, v4, vm0, $0xb8;
	[tilespmem:$0x11400] =	vst v63  }
0x4e: {  	v3 =	vadd.s32 v1, v3;
	s22 =	rddreg [dreg:$0x10]  }
0x4f: {  	[hbm4b:s19+s3] =	stream.indirect_vreg.scatter [tilespmem:s22], [sflag:$0x2], $0x80, v4, vm0, $0xb8;
	[tilespmem:$0x11400] =	vst v63  }
0x50: {  	s1 =	rddreg [dreg:$0x11]  }
0x51: {  	[hbm4b:s20+s3] =	stream.indirect_vreg.scatter [tilespmem:s1], [sflag:$0x2], $0x80, v4, vm0, $0xb8;
	[tilespmem:$0x11400] =	vst v63  }
0x52: {  	s22 =	rddreg [dreg:$0x12]  }
0x53: {  	[hbm4b:s2+s3] =	stream.indirect_vreg.scatter [tilespmem:s22], [sflag:$0x2], $0x80, v3, vm0, $0xb8;
	[tilespmem:$0x11400] =	vst v63  }
0x54: {  	s1 =	rddreg [dreg:$0x13]  }
0x55: {  	[hbm4b:s6+s3] =	stream.indirect_vreg.scatter [tilespmem:s1], [sflag:$0x2], $0x80, v3, vm0, $0xb8;
	[tilespmem:$0x11400] =	vst v63  }
0x56: {  	s22 =	rddreg [dreg:$0x14]  }
0x57: {  	[hbm4b:s7+s3] =	stream.indirect_vreg.scatter [tilespmem:s22], [sflag:$0x2], $0x80, v3, vm0, $0xb8;
	[tilespmem:$0x11400] =	vst v63  }
0x58: {  	s1 =	rddreg [dreg:$0x15]  }
0x59: {  	[hbm4b:s8+s3] =	stream.indirect_vreg.scatter [tilespmem:s1], [sflag:$0x2], $0x80, v3, vm0, $0xb8;
	[tilespmem:$0x11400] =	vst v63  }
0x5a: {  	s22 =	rddreg [dreg:$0x16]  }
0x5b: {  	[hbm4b:s9+s3] =	stream.indirect_vreg.scatter [tilespmem:s22], [sflag:$0x2], $0x80, v3, vm0, $0xb8;
	[tilespmem:$0x11400] =	vst v63  }
0x5c: {  	s1 =	rddreg [dreg:$0x17]  }
0x5d: {  	[hbm4b:s10+s3] =	stream.indirect_vreg.scatter [tilespmem:s1], [sflag:$0x2], $0x80, v3, vm0, $0xb8;
	[tilespmem:$0x11400] =	vst v63  }
0x5e: {  	s22 =	rddreg [dreg:$0x18]  }
0x5f: {  	[hbm4b:s11+s3] =	stream.indirect_vreg.scatter [tilespmem:s22], [sflag:$0x2], $0x80, v3, vm0, $0xb8;
	[tilespmem:$0x11400] =	vst v63  }
0x60: {  	_ = 	snop  }
0x61: {  	[hbm4b:s12+s3] =	stream.indirect_vreg.scatter [tilespmem:s23], [sflag:$0x2], $0x80, v3, vm0, $0xb8;
	[tilespmem:$0x11400] =	vst v63  }
0x62: {  	_ = 	snop  }
0x63: {  	[hbm4b:s13+s3] =	stream.indirect_vreg.scatter [tilespmem:s24], [sflag:$0x2], $0x80, v3, vm0, $0xb8;
	[tilespmem:$0x11400] =	vst v63  }
0x64: {  	_ = 	snop  }
0x65: {  	[hbm4b:s14+s3] =	stream.indirect_vreg.scatter [tilespmem:s25], [sflag:$0x2], $0x80, v3, vm0, $0xb8;
	[tilespmem:$0x11400] =	vst v63  }
0x66: {  	_ = 	snop  }
0x67: {  	[hbm4b:s15+s3] =	stream.indirect_vreg.scatter [tilespmem:s26], [sflag:$0x2], $0x80, v3, vm0, $0xb8;
	[tilespmem:$0x11400] =	vst v63  }
0x68: {  	_ = 	snop  }
0x69: {  	[hbm4b:s16+s3] =	stream.indirect_vreg.scatter [tilespmem:s28], [sflag:$0x2], $0x80, v3, vm0, $0xb8;
	[tilespmem:$0x11400] =	vst v63  }
0x6a: {  	_ = 	snop  }
0x6b: {  	[hbm4b:s17+s3] =	stream.indirect_vreg.scatter [tilespmem:s29], [sflag:$0x2], $0x80, v3, vm0, $0xb8;
	[tilespmem:$0x11400] =	vst v63  }
0x6c: {  	p6 =	por $0x1, $0x1  }
0x6d: {  	[hbm4b:s18+s3] =	stream.indirect_vreg.scatter [tilespmem:s30], [sflag:$0x2], $0x80, v3, vm0, $0xb8;
	[tilespmem:$0x11400] =	vst v63  }
0x6e: {  	p0 =	por p6, p6;
	s5 =	simm.s32 $0x10080;
	s21 =	simm.s32 $0x2  }
0x6f: {  	[hbm4b:s19+s3] =	stream.indirect_vreg.scatter [tilespmem:s31], [sflag:$0x2], $0x80, v3, vm0, $0xb8;
	[tilespmem:$0x11400] =	vst v63  }
.LBB2_2:
0x70: {  	[hbm4b:s20+s3] =	stream.indirect_vreg.scatter [tilespmem:s0], [sflag:$0x2], $0x80, v3, vm0, $0xb8;
	[tilespmem:$0x11400] =	vst v63  }
0x71: {  	s22 =	simm.s32 @!p0 $0x2  }
0x72: {  	_ =	swait.ge @!p0 [sflag:s22], $0x10000  }
0x73: {  	[sflag:s22] =	ssyncset.done @!p0 $0x0  }
0x74: {  	[sflag:s22] =	ssyncadd.s32 @!p0 $0xFFFF0000  }
0x75: {  	v3 =	vld [tilespmem:s5+$0x0];
	_ =	sdelay $0x4  }
0x76: {  	v4 =	vshll.u32 v3, $0x5  }
0x77: {  	v3 =	vand.u32 $0x7, v3;
	v4 =	vand.u32 $0xFFFFFF00, v4  }
0x78: {  	v3 =	vor.u32 v3, v4  }
0x79: {  	v4 =	vperm.xlane v3, v0;
	_ =	sdelay $0x1  }
0x7a: {  	v4 =	vadd.s32 v1, v4;
	_ =	sdelay $0x4  }
0x7b: {  	[hbm4b:s2+s3] =	stream.indirect_vreg.scatter [tilespmem:s3], [sflag:$0x2], $0x80, v4, vm0, $0xb8;
	[tilespmem:$0x11400] =	vst v63  }
0x7c: {  	s22 =	rddreg [dreg:$0x3]  }
0x7d: {  	[hbm4b:s6+s3] =	stream.indirect_vreg.scatter [tilespmem:s22], [sflag:$0x2], $0x80, v4, vm0, $0xb8;
	[tilespmem:$0x11400] =	vst v63  }
0x7e: {  	s1 =	rddreg [dreg:$0x4]  }
0x7f: {  	[hbm4b:s7+s3] =	stream.indirect_vreg.scatter [tilespmem:s1], [sflag:$0x2], $0x80, v4, vm0, $0xb8;
	[tilespmem:$0x11400] =	vst v63  }
0x80: {  	s22 =	rddreg [dreg:$0x5]  }
0x81: {  	[hbm4b:s8+s3] =	stream.indirect_vreg.scatter [tilespmem:s22], [sflag:$0x2], $0x80, v4, vm0, $0xb8;
	[tilespmem:$0x11400] =	vst v63  }
0x82: {  	s1 =	rddreg [dreg:$0x6]  }
0x83: {  	[hbm4b:s9+s3] =	stream.indirect_vreg.scatter [tilespmem:s1], [sflag:$0x2], $0x80, v4, vm0, $0xb8;
	[tilespmem:$0x11400] =	vst v63  }
0x84: {  	s22 =	rddreg [dreg:$0x7]  }
0x85: {  	[hbm4b:s10+s3] =	stream.indirect_vreg.scatter [tilespmem:s22], [sflag:$0x2], $0x80, v4, vm0, $0xb8;
	[tilespmem:$0x11400] =	vst v63  }
0x86: {  	s1 =	rddreg [dreg:$0x8]  }
0x87: {  	[hbm4b:s11+s3] =	stream.indirect_vreg.scatter [tilespmem:s1], [sflag:$0x2], $0x80, v4, vm0, $0xb8;
	[tilespmem:$0x11400] =	vst v63  }
0x88: {  	s22 =	rddreg [dreg:$0x9]  }
0x89: {  	[hbm4b:s12+s3] =	stream.indirect_vreg.scatter [tilespmem:s22], [sflag:$0x2], $0x80, v4, vm0, $0xb8;
	[tilespmem:$0x11400] =	vst v63  }
0x8a: {  	s1 =	rddreg [dreg:$0xa]  }
0x8b: {  	[hbm4b:s13+s3] =	stream.indirect_vreg.scatter [tilespmem:s1], [sflag:$0x2], $0x80, v4, vm0, $0xb8;
	[tilespmem:$0x11400] =	vst v63  }
0x8c: {  	s22 =	rddreg [dreg:$0xb]  }
0x8d: {  	[hbm4b:s14+s3] =	stream.indirect_vreg.scatter [tilespmem:s22], [sflag:$0x2], $0x80, v4, vm0, $0xb8;
	[tilespmem:$0x11400] =	vst v63  }
0x8e: {  	s1 =	rddreg [dreg:$0xc]  }
0x8f: {  	[hbm4b:s15+s3] =	stream.indirect_vreg.scatter [tilespmem:s1], [sflag:$0x2], $0x80, v4, vm0, $0xb8;
	[tilespmem:$0x11400] =	vst v63  }
0x90: {  	s22 =	rddreg [dreg:$0xd]  }
0x91: {  	[hbm4b:s16+s3] =	stream.indirect_vreg.scatter [tilespmem:s22], [sflag:$0x2], $0x80, v4, vm0, $0xb8;
	[tilespmem:$0x11400] =	vst v63  }
0x92: {  	s1 =	rddreg [dreg:$0xe]  }
0x93: {  	[hbm4b:s17+s3] =	stream.indirect_vreg.scatter [tilespmem:s1], [sflag:$0x2], $0x80, v4, vm0, $0xb8;
	[tilespmem:$0x11400] =	vst v63  }
0x94: {  	v3 =	vperm.xlane v3, v2;
	s22 =	rddreg [dreg:$0xf]  }
0x95: {  	[hbm4b:s18+s3] =	stream.indirect_vreg.scatter [tilespmem:s22], [sflag:$0x2], $0x80, v4, vm0, $0xb8;
	[tilespmem:$0x11400] =	vst v63  }
0x96: {  	v3 =	vadd.s32 v1, v3;
	s1 =	rddreg [dreg:$0x10]  }
0x97: {  	[hbm4b:s19+s3] =	stream.indirect_vreg.scatter [tilespmem:s1], [sflag:$0x2], $0x80, v4, vm0, $0xb8;
	[tilespmem:$0x11400] =	vst v63  }
0x98: {  	s22 =	rddreg [dreg:$0x11]  }
0x99: {  	[hbm4b:s20+s3] =	stream.indirect_vreg.scatter [tilespmem:s22], [sflag:$0x2], $0x80, v4, vm0, $0xb8;
	[tilespmem:$0x11400] =	vst v63  }
0x9a: {  	s1 =	rddreg [dreg:$0x12]  }
0x9b: {  	[hbm4b:s2+s3] =	stream.indirect_vreg.scatter [tilespmem:s1], [sflag:$0x2], $0x80, v3, vm0, $0xb8;
	[tilespmem:$0x11400] =	vst v63  }
0x9c: {  	s22 =	rddreg [dreg:$0x13]  }
0x9d: {  	[hbm4b:s6+s3] =	stream.indirect_vreg.scatter [tilespmem:s22], [sflag:$0x2], $0x80, v3, vm0, $0xb8;
	[tilespmem:$0x11400] =	vst v63  }
0x9e: {  	s1 =	rddreg [dreg:$0x14]  }
0x9f: {  	[hbm4b:s7+s3] =	stream.indirect_vreg.scatter [tilespmem:s1], [sflag:$0x2], $0x80, v3, vm0, $0xb8;
	[tilespmem:$0x11400] =	vst v63  }
0xa0: {  	s22 =	rddreg [dreg:$0x15]  }
0xa1: {  	[hbm4b:s8+s3] =	stream.indirect_vreg.scatter [tilespmem:s22], [sflag:$0x2], $0x80, v3, vm0, $0xb8;
	[tilespmem:$0x11400] =	vst v63  }
0xa2: {  	s1 =	rddreg [dreg:$0x16]  }
0xa3: {  	[hbm4b:s9+s3] =	stream.indirect_vreg.scatter [tilespmem:s1], [sflag:$0x2], $0x80, v3, vm0, $0xb8;
	[tilespmem:$0x11400] =	vst v63  }
0xa4: {  	s22 =	rddreg [dreg:$0x17]  }
0xa5: {  	[hbm4b:s10+s3] =	stream.indirect_vreg.scatter [tilespmem:s22], [sflag:$0x2], $0x80, v3, vm0, $0xb8;
	[tilespmem:$0x11400] =	vst v63  }
0xa6: {  	s1 =	rddreg [dreg:$0x18]  }
0xa7: {  	[hbm4b:s11+s3] =	stream.indirect_vreg.scatter [tilespmem:s1], [sflag:$0x2], $0x80, v3, vm0, $0xb8;
	[tilespmem:$0x11400] =	vst v63  }
0xa8: {  	_ = 	snop  }
0xa9: {  	[hbm4b:s12+s3] =	stream.indirect_vreg.scatter [tilespmem:s23], [sflag:$0x2], $0x80, v3, vm0, $0xb8;
	[tilespmem:$0x11400] =	vst v63  }
0xaa: {  	_ = 	snop  }
0xab: {  	[hbm4b:s13+s3] =	stream.indirect_vreg.scatter [tilespmem:s24], [sflag:$0x2], $0x80, v3, vm0, $0xb8;
	[tilespmem:$0x11400] =	vst v63  }
0xac: {  	_ = 	snop  }
0xad: {  	[hbm4b:s14+s3] =	stream.indirect_vreg.scatter [tilespmem:s25], [sflag:$0x2], $0x80, v3, vm0, $0xb8;
	[tilespmem:$0x11400] =	vst v63  }
0xae: {  	_ = 	snop  }
0xaf: {  	[hbm4b:s15+s3] =	stream.indirect_vreg.scatter [tilespmem:s26], [sflag:$0x2], $0x80, v3, vm0, $0xb8;
	[tilespmem:$0x11400] =	vst v63  }
0xb0: {  	p2 =	slt.u32 s21, $0x4;
	s21 =	sadd.s32 $0x1, s21  }
0xb1: {  	[hbm4b:s16+s3] =	stream.indirect_vreg.scatter [tilespmem:s28], [sflag:$0x2], $0x80, v3, vm0, $0xb8;
	[tilespmem:$0x11400] =	vst v63  }
0xb2: {  	p1 =	sne.s32 s21, $0x22  }
0xb3: {  	[hbm4b:s17+s3] =	stream.indirect_vreg.scatter [tilespmem:s29], [sflag:$0x2], $0x80, v3, vm0, $0xb8;
	[tilespmem:$0x11400] =	vst v63  }
.Ltmp0:
0xb4: {  	_ = 	snop;
	(pc) =	sbr.rel @p1 .LBB2_2-.Ltmp0, $4  }
0xb5: {  	_ = 	snop  }
0xb6: {  	[hbm4b:s18+s3] =	stream.indirect_vreg.scatter [tilespmem:s30], [sflag:$0x2], $0x80, v3, vm0, $0xb8;
	[tilespmem:$0x11400] =	vst v63  }
0xb7: {  	p0 =	por p2, p2;
	s5 =	sadd.s32 $0x80, s5  }
0xb8: {  	[hbm4b:s19+s3] =	stream.indirect_vreg.scatter [tilespmem:s31], [sflag:$0x2], $0x80, v3, vm0, $0xb8;
	[tilespmem:$0x11400] =	vst v63  }
0xb9: {  	_ =	sdelay $0x3  }
0xba: {  	[hbm4b:s20+s3] =	stream.indirect_vreg.scatter [tilespmem:s0], [sflag:$0x2], $0x80, v3, vm0, $0xb8;
	[tilespmem:$0x11400] =	vst v63  }
0xbb: {  	s1 =	simm.s32 @!p0 $0x2  }
0xbc: {  	_ =	swait.ge @!p0 [sflag:s1], $0x10000  }
0xbd: {  	[sflag:s1] =	ssyncset.done @!p0 $0x0  }
0xbe: {  	[sflag:s1] =	ssyncadd.s32 @!p0 $0xFFFF0000  }
0xbf: {  	v3 =	vld [tilespmem:s5+$0x0];
	_ =	sdelay $0x4  }
0xc0: {  	v4 =	vshll.u32 v3, $0x5  }
0xc1: {  	v3 =	vand.u32 $0x7, v3;
	v4 =	vand.u32 $0xFFFFFF00, v4  }
0xc2: {  	v3 =	vor.u32 v3, v4  }
0xc3: {  	v4 =	vperm.xlane v3, v0;
	_ =	sdelay $0x1  }
0xc4: {  	v4 =	vadd.s32 v1, v4;
	_ =	sdelay $0x4  }
0xc5: {  	[hbm4b:s2+s3] =	stream.indirect_vreg.scatter [tilespmem:s3], [sflag:$0x2], $0x80, v4, vm0, $0xb8;
	[tilespmem:$0x11400] =	vst v63  }
0xc6: {  	s21 =	rddreg [dreg:$0x3]  }
0xc7: {  	[hbm4b:s6+s3] =	stream.indirect_vreg.scatter [tilespmem:s21], [sflag:$0x2], $0x80, v4, vm0, $0xb8;
	[tilespmem:$0x11400] =	vst v63  }
0xc8: {  	s22 =	rddreg [dreg:$0x4]  }
0xc9: {  	[hbm4b:s7+s3] =	stream.indirect_vreg.scatter [tilespmem:s22], [sflag:$0x2], $0x80, v4, vm0, $0xb8;
	[tilespmem:$0x11400] =	vst v63  }
0xca: {  	s21 =	rddreg [dreg:$0x5]  }
0xcb: {  	[hbm4b:s8+s3] =	stream.indirect_vreg.scatter [tilespmem:s21], [sflag:$0x2], $0x80, v4, vm0, $0xb8;
	[tilespmem:$0x11400] =	vst v63  }
0xcc: {  	s22 =	rddreg [dreg:$0x6]  }
0xcd: {  	[hbm4b:s9+s3] =	stream.indirect_vreg.scatter [tilespmem:s22], [sflag:$0x2], $0x80, v4, vm0, $0xb8;
	[tilespmem:$0x11400] =	vst v63  }
0xce: {  	s21 =	rddreg [dreg:$0x7]  }
0xcf: {  	[hbm4b:s10+s3] =	stream.indirect_vreg.scatter [tilespmem:s21], [sflag:$0x2], $0x80, v4, vm0, $0xb8;
	[tilespmem:$0x11400] =	vst v63  }
0xd0: {  	s22 =	rddreg [dreg:$0x8]  }
0xd1: {  	[hbm4b:s11+s3] =	stream.indirect_vreg.scatter [tilespmem:s22], [sflag:$0x2], $0x80, v4, vm0, $0xb8;
	[tilespmem:$0x11400] =	vst v63  }
0xd2: {  	s21 =	rddreg [dreg:$0x9]  }
0xd3: {  	[hbm4b:s12+s3] =	stream.indirect_vreg.scatter [tilespmem:s21], [sflag:$0x2], $0x80, v4, vm0, $0xb8;
	[tilespmem:$0x11400] =	vst v63  }
0xd4: {  	s22 =	rddreg [dreg:$0xa]  }
0xd5: {  	[hbm4b:s13+s3] =	stream.indirect_vreg.scatter [tilespmem:s22], [sflag:$0x2], $0x80, v4, vm0, $0xb8;
	[tilespmem:$0x11400] =	vst v63  }
0xd6: {  	s21 =	rddreg [dreg:$0xb]  }
0xd7: {  	[hbm4b:s14+s3] =	stream.indirect_vreg.scatter [tilespmem:s21], [sflag:$0x2], $0x80, v4, vm0, $0xb8;
	[tilespmem:$0x11400] =	vst v63  }
0xd8: {  	s22 =	rddreg [dreg:$0xc]  }
0xd9: {  	[hbm4b:s15+s3] =	stream.indirect_vreg.scatter [tilespmem:s22], [sflag:$0x2], $0x80, v4, vm0, $0xb8;
	[tilespmem:$0x11400] =	vst v63  }
0xda: {  	s21 =	rddreg [dreg:$0xd]  }
0xdb: {  	[hbm4b:s16+s3] =	stream.indirect_vreg.scatter [tilespmem:s21], [sflag:$0x2], $0x80, v4, vm0, $0xb8;
	[tilespmem:$0x11400] =	vst v63  }
0xdc: {  	s22 =	rddreg [dreg:$0xe]  }
0xdd: {  	[hbm4b:s17+s3] =	stream.indirect_vreg.scatter [tilespmem:s22], [sflag:$0x2], $0x80, v4, vm0, $0xb8;
	[tilespmem:$0x11400] =	vst v63  }
0xde: {  	v3 =	vperm.xlane v3, v2;
	s21 =	rddreg [dreg:$0xf]  }
0xdf: {  	[hbm4b:s18+s3] =	stream.indirect_vreg.scatter [tilespmem:s21], [sflag:$0x2], $0x80, v4, vm0, $0xb8;
	[tilespmem:$0x11400] =	vst v63  }
0xe0: {  	v3 =	vadd.s32 v1, v3;
	s22 =	rddreg [dreg:$0x10]  }
0xe1: {  	[hbm4b:s19+s3] =	stream.indirect_vreg.scatter [tilespmem:s22], [sflag:$0x2], $0x80, v4, vm0, $0xb8;
	[tilespmem:$0x11400] =	vst v63  }
0xe2: {  	s21 =	rddreg [dreg:$0x11]  }
0xe3: {  	[hbm4b:s20+s3] =	stream.indirect_vreg.scatter [tilespmem:s21], [sflag:$0x2], $0x80, v4, vm0, $0xb8;
	[tilespmem:$0x11400] =	vst v63  }
0xe4: {  	s22 =	rddreg [dreg:$0x12]  }
0xe5: {  	[hbm4b:s2+s3] =	stream.indirect_vreg.scatter [tilespmem:s22], [sflag:$0x2], $0x80, v3, vm0, $0xb8;
	[tilespmem:$0x11400] =	vst v63  }
0xe6: {  	s21 =	rddreg [dreg:$0x13]  }
0xe7: {  	[hbm4b:s6+s3] =	stream.indirect_vreg.scatter [tilespmem:s21], [sflag:$0x2], $0x80, v3, vm0, $0xb8;
	[tilespmem:$0x11400] =	vst v63  }
0xe8: {  	s22 =	rddreg [dreg:$0x14]  }
0xe9: {  	[hbm4b:s7+s3] =	stream.indirect_vreg.scatter [tilespmem:s22], [sflag:$0x2], $0x80, v3, vm0, $0xb8;
	[tilespmem:$0x11400] =	vst v63  }
0xea: {  	s21 =	rddreg [dreg:$0x15]  }
0xeb: {  	[hbm4b:s8+s3] =	stream.indirect_vreg.scatter [tilespmem:s21], [sflag:$0x2], $0x80, v3, vm0, $0xb8;
	[tilespmem:$0x11400] =	vst v63  }
0xec: {  	s22 =	rddreg [dreg:$0x16]  }
0xed: {  	[hbm4b:s9+s3] =	stream.indirect_vreg.scatter [tilespmem:s22], [sflag:$0x2], $0x80, v3, vm0, $0xb8;
	[tilespmem:$0x11400] =	vst v63  }
0xee: {  	s21 =	rddreg [dreg:$0x17]  }
0xef: {  	[hbm4b:s10+s3] =	stream.indirect_vreg.scatter [tilespmem:s21], [sflag:$0x2], $0x80, v3, vm0, $0xb8;
	[tilespmem:$0x11400] =	vst v63  }
0xf0: {  	s22 =	rddreg [dreg:$0x18]  }
0xf1: {  	[hbm4b:s11+s3] =	stream.indirect_vreg.scatter [tilespmem:s22], [sflag:$0x2], $0x80, v3, vm0, $0xb8;
	[tilespmem:$0x11400] =	vst v63  }
0xf2: {  	_ = 	snop  }
0xf3: {  	[hbm4b:s12+s3] =	stream.indirect_vreg.scatter [tilespmem:s23], [sflag:$0x2], $0x80, v3, vm0, $0xb8;
	[tilespmem:$0x11400] =	vst v63  }
0xf4: {  	_ = 	snop  }
0xf5: {  	[hbm4b:s13+s3] =	stream.indirect_vreg.scatter [tilespmem:s24], [sflag:$0x2], $0x80, v3, vm0, $0xb8;
	[tilespmem:$0x11400] =	vst v63  }
0xf6: {  	_ = 	snop  }
0xf7: {  	[hbm4b:s14+s3] =	stream.indirect_vreg.scatter [tilespmem:s25], [sflag:$0x2], $0x80, v3, vm0, $0xb8;
	[tilespmem:$0x11400] =	vst v63  }
0xf8: {  	_ = 	snop  }
0xf9: {  	[hbm4b:s15+s3] =	stream.indirect_vreg.scatter [tilespmem:s26], [sflag:$0x2], $0x80, v3, vm0, $0xb8;
	[tilespmem:$0x11400] =	vst v63  }
0xfa: {  	_ = 	snop  }
0xfb: {  	[hbm4b:s16+s3] =	stream.indirect_vreg.scatter [tilespmem:s28], [sflag:$0x2], $0x80, v3, vm0, $0xb8;
	[tilespmem:$0x11400] =	vst v63  }
0xfc: {  	_ = 	snop  }
0xfd: {  	[hbm4b:s17+s3] =	stream.indirect_vreg.scatter [tilespmem:s29], [sflag:$0x2], $0x80, v3, vm0, $0xb8;
	[tilespmem:$0x11400] =	vst v63  }
0xfe: {  	_ = 	snop  }
0xff: {  	[hbm4b:s18+s3] =	stream.indirect_vreg.scatter [tilespmem:s30], [sflag:$0x2], $0x80, v3, vm0, $0xb8;
	[tilespmem:$0x11400] =	vst v63  }
0x100: {  	_ = 	snop  }
0x101: {  	[hbm4b:s19+s3] =	stream.indirect_vreg.scatter [tilespmem:s31], [sflag:$0x2], $0x80, v3, vm0, $0xb8;
	[tilespmem:$0x11400] =	vst v63  }
0x102: {  	s21 =	simm.s32 $0x2  }
0x103: {  	[hbm4b:s20+s3] =	stream.indirect_vreg.scatter [tilespmem:s0], [sflag:$0x2], $0x80, v3, vm0, $0xb8;
	[tilespmem:$0x11400] =	vst v63  }
0x104: {  	_ =	swait.ge [sflag:s21], $0x10000  }
0x105: {  	[sflag:s21] =	ssyncset.done $0x0  }
0x106: {  	[sflag:s21] =	ssyncadd.s32 $0xFFFF0000  }
0x107: {  	_ =	swait.ge [sflag:s21], $0x10000  }
0x108: {  	[sflag:s21] =	ssyncset.done $0x0  }
0x109: {  	[sflag:s21] =	ssyncadd.s32 $0xFFFF0000  }
0x10a: {  	_ =	swait.ge [sflag:s21], $0x10000  }
0x10b: {  	[sflag:s21] =	ssyncset.done $0x0  }
0x10c: {  	[sflag:s21] =	ssyncadd.s32 $0xFFFF0000  }
0x10d: {  	_ =	swait.ge [sflag:s21], $0x10000  }
0x10e: {  	s4 =	sadd.s32 $0x1, s4;
	s22 =	rddreg [dreg:$0x1b]  }
0x10f: {  	p0 =	sne.s32 s4, s22  }
.Ltmp1:
0x110: {  	_ = 	snop;
	(pc) =	sbr.rel @p0 .LBB2_1-.Ltmp1, $3  }
0x111: {  	_ =	sdelay $0x1  }
0x112: {  	[sflag:s21] =	ssyncset.done $0x0  }
0x113: {  	[sflag:s21] =	ssyncadd.s32 $0xFFFF0000  }
0x114: {  	_ =	sfence.sel $0x180000  }
0x115: {  	[bflag:$0x0] =	sbarrier.arrive $0xFFFF  }
0x116: {  	_ =	strace $0x90000047  }
0x117: {  	s0 =	stileid.u32;
	[bflag:$0x2] =	sbarrier.arrive $0xFFFF  }
0x118: {  	p0 =	sne.s32 s0, $0x0;
	s0 =	rddreg [dreg:$0x2]  }
0x119: {  	s0 =	sadd.s32 @!p0 $0x100000, s0  }
0x11a: {  	[sflag:s0] =	ssyncadd.tile.s32 @!p0 $0x1;
	_ =	shalt  }
.Lfunc_end2:
_tile_overlayer_lowered:
.L_overlay_start_2:
0x11b: {  	(tag) =	ssettag $0x2  }
0x11c: {  	s0 =	rddreg [dreg:$0x0];
	s2 =	stileid.u32  }
0x11d: {  	s1 =	rddreg [dreg:$0x1];
	p0 =	sne.s32 s2, $0x0  }
0x11e: {  	s3 =	rddreg [dreg:$0x2];
	[bflag:$0x3] =	sbarrier.arrive $0xFFFF;
	s2 =	simm.s32 @!p0 $0x1C03  }
0x11f: {  	[timem:s3], [sflag:s2] =	dma.local @!p0 [hbm:s0], s1  }
0x120: {  	s0 =	simm.s32 @!p0 $0x3  }
0x121: {  	_ =	swait.ge @!p0 [sflag:s0], s1  }
0x122: {  	s1 =	ssub.s32 @!p0 $0x0, s1;
	[sflag:s0] =	ssyncset.done @!p0 $0x0  }
0x123: {  	[sflag:s0] =	ssyncadd.s32 @!p0 s1  }
0x124: {  	[bflag:$0x3] =	sbarrier.arrive $0xFFFF  }
0x125: {  	_ =	shalt  }

</sc_bundles>
